<compile_context>
chip_gen: v7x
topology: tpu7x:2x2x1
jax: 0.10.2.dev20260603
libtpu: 0.0.44.dev20260713+nightly
codegen_flags: <defaults>
</compile_context>

<pallas_src>
import functools

import jax
import jax.numpy as jnp
from jax import lax
from jax.experimental import pallas as pl
from jax.experimental.pallas import tpu as pltpu
from jax.experimental.pallas import tpu_sc as plsc

_BN = 256


def _argmin_body(x_ref, wT_ref, qi_ref):
    xb = x_ref[...]
    wT = wT_ref[...]
    q = wT.shape[1]
    bn = xb.shape[0]

    acc = None
    for g in range(4):
        terms = []
        for s in range(8):
            j = 8 * g + s
            d = wT[j, :][None, :] - xb[:, j][:, None]
            terms.append(d * d)
        b = [terms[s] + terms[s + 4] for s in range(4)]
        c0 = b[0] + b[2]
        c1 = b[1] + b[3]
        e = c0 + c1
        acc = e if acc is None else acc + e

    m = jnp.min(acc, axis=1, keepdims=True)
    iota = jax.lax.broadcasted_iota(jnp.int32, (bn, q), 1)
    idx = jnp.min(jnp.where(acc == m, iota, q), axis=1)
    qi_ref[...] = idx[:, None]


def _make_sc_gather(v, d, b):
    info = plsc.get_sparse_core_info()
    nw = info.num_cores * info.num_subcores
    nc = info.num_cores
    b_per_w = b // nw
    mesh = plsc.VectorSubcoreMesh(core_axis_name="c", subcore_axis_name="s")

    @functools.partial(
        pl.kernel, mesh=mesh,
        compiler_params=pltpu.CompilerParams(use_tc_tiling_on_sc=False),
        out_type=jax.ShapeDtypeStruct((b, d), jnp.float32),
        scratch_types=[
            pltpu.VMEM((b_per_w,), jnp.int32),
            pltpu.VMEM((b_per_w, d), jnp.float32),
            pltpu.SemaphoreType.DMA,
        ],
    )
    def sc_gather(table_hbm, idx_hbm, out_hbm, idx_v, rows_v, sem):
        wid = lax.axis_index("s") * nc + lax.axis_index("c")
        base = wid * b_per_w
        pltpu.sync_copy(idx_hbm.at[pl.ds(base, b_per_w)], idx_v)
        pltpu.async_copy(table_hbm.at[idx_v], rows_v, sem).wait()
        pltpu.sync_copy(rows_v, out_hbm.at[pl.ds(base, b_per_w)])

    return sc_gather


def kernel(x, weight):
    input_shape = x.shape
    e = weight.shape[1]
    q = weight.shape[0]
    xf = x.reshape(-1, e)
    n = xf.shape[0]
    wT = weight.T

    q_idx = pl.pallas_call(
        _argmin_body,
        grid=(n // _BN,),
        in_specs=[
            pl.BlockSpec((_BN, e), lambda i: (i, 0)),
            pl.BlockSpec((e, q), lambda i: (0, 0)),
        ],
        out_specs=pl.BlockSpec((_BN, 1), lambda i: (i, 0)),
        out_shape=jax.ShapeDtypeStruct((n, 1), jnp.int32),
    )(xf, wT)
    idx_flat = q_idx.reshape(n)

    q_data = _make_sc_gather(q, e, n)(weight, idx_flat)
    return (q_data.reshape(input_shape),
            idx_flat.reshape(input_shape[:-1]))

# --- scband reference (transcript-rebuilt; emitter-appended) ---
"""Pipeline reference for scband-quantizing-12060268167756 (READ-ONLY COPY).

The authoritative reference and input builder live on the scoring server;
editing this copy changes nothing except your own understanding.
"""

import jax, jax.numpy as jnp
import numpy as np


def setup_inputs(seed: int = 0) -> dict:
    key = jax.random.key(seed)
    kx, kw = jax.random.split(key)
    x = jax.random.normal(kx, (4, 1024, 32), dtype=jnp.float32)
    # learned codebook: nn.init.normal_(weight, mean=0.0, std=0.001)
    weight = jax.random.normal(kw, (1024, 32), dtype=jnp.float32) * 0.001
    return {"x": x, "weight": weight}


def reference(x, weight):
    input_shape = x.shape
    quantizing_dim = weight.shape[1]
    xf = x.reshape(-1, quantizing_dim)
    # delta: (N, Q, E) = weight (Q, E) broadcast minus xf (N, 1, E)
    delta = weight[None, :, :] - xf[:, None, :]
    dist = jnp.sum(delta * delta, axis=-1)  # (N, Q)
    q_idx = jnp.argmin(dist, axis=-1)  # (N,)
    q_data = jnp.take(weight, q_idx, axis=0)  # (N, E) gather
    return (q_data.reshape(input_shape), q_idx.reshape(input_shape[:-1]))

if __name__ == "__main__":
    import jax
    _d = setup_inputs()
    print(jax.jit(kernel)(*tuple(_d.values())))

</pallas_src>

<mosaic_0001>
#map = affine_map<(d0, d1) -> (0, 0)>
#map1 = affine_map<(d0, d1) -> (0)>
module attributes {stable_mosaic.version = 14 : i64} {
  func.func @sc_gather(%arg0: i32, %arg1: i32, %arg2: memref<1024x32xf32, #tpu.memory_space<hbm>>, %arg3: memref<4096xi32, #tpu.memory_space<hbm>>, %arg4: memref<4096x32xf32, #tpu.memory_space<hbm>>, %arg5: memref<128xi32, #tpu.memory_space<vmem>>, %arg6: memref<128x32xf32, #tpu.memory_space<vmem>>, %arg7: memref<!tpu.dma_semaphore, #tpu.memory_space<semaphore_mem>>) attributes {dimension_semantics = [#tpu.dimension_semantics<core_parallel>, #tpu.dimension_semantics<subcore_parallel>], iteration_bounds = array<i64: 2, 16>, scalar_prefetch = 0 : i64, scratch_operands = 3 : i64, tpu.core_type = #tpu.core_type<sc_vector_subcore>, window_params = [{transform_indices = #map}, {transform_indices = #map1}, {transform_indices = #map}]} {
    %mul3A = arith.constant 2 : i32
    %mul3A_0 = arith.muli %arg1, %mul3A : i32
    %add3A = arith.addi %mul3A_0, %arg0 : i32
    %mul3A_1 = arith.constant 128 : i32
    %mul3A_2 = arith.muli %add3A, %mul3A_1 : i32
    "tpu.region"() ({
      %run_scoped3A = tpu.sem_alloc : memref<!tpu.dma_semaphore, #tpu.memory_space<semaphore_mem>>
      %dma_start3A_7 = tpu.memref_slice %arg3[%mul3A_2] : memref<4096xi32, #tpu.memory_space<hbm>> -> memref<128xi32, #tpu.memory_space<hbm>>
      %dma_start3A_8 = tpu.memref_slice %arg3[%mul3A_2] : memref<4096xi32, #tpu.memory_space<hbm>> -> memref<128xi32, #tpu.memory_space<hbm>>
      tpu.enqueue_dma source(%dma_start3A_8 : memref<128xi32, #tpu.memory_space<hbm>>) target(%arg5 : memref<128xi32, #tpu.memory_space<vmem>>) target_semaphore(%run_scoped3A : memref<!tpu.dma_semaphore, #tpu.memory_space<semaphore_mem>>)
      %dma_wait3A_9 = tpu.memref_slice %arg3[%mul3A_2] : memref<4096xi32, #tpu.memory_space<hbm>> -> memref<128xi32, #tpu.memory_space<hbm>>
      %dma_wait3A_10 = tpu.memref_slice %arg3[%mul3A_2] : memref<4096xi32, #tpu.memory_space<hbm>> -> memref<128xi32, #tpu.memory_space<hbm>>
      tpu.wait_dma2 semaphore(%run_scoped3A : memref<!tpu.dma_semaphore, #tpu.memory_space<semaphore_mem>>) src(%dma_wait3A_10 : memref<128xi32, #tpu.memory_space<hbm>>) dst(%arg5 : memref<128xi32, #tpu.memory_space<vmem>>)
      tpu.yield
    }) : () -> ()
    %dma_start3A = arith.constant 0 : i32
    %dma_start3A_3 = arith.constant 0 : i32
    %dma_start3A_4 = tpu.memref_slice %arg2[%dma_start3A, %dma_start3A_3] : memref<1024x32xf32, #tpu.memory_space<hbm>> -> memref<1024x32xf32, #tpu.memory_space<hbm>>
    tpu.enqueue_indirect_dma source(%dma_start3A_4 : memref<1024x32xf32, #tpu.memory_space<hbm>>) target(%arg6 : memref<128x32xf32, #tpu.memory_space<vmem>>) offsets(%arg5 : memref<128xi32, #tpu.memory_space<vmem>>) semaphore(%arg7 : memref<!tpu.dma_semaphore, #tpu.memory_space<semaphore_mem>>)
    %dma_wait3A = arith.constant 0 : i32
    %dma_wait3A_5 = arith.constant 0 : i32
    %dma_wait3A_6 = tpu.memref_slice %arg2[%dma_wait3A, %dma_wait3A_5] : memref<1024x32xf32, #tpu.memory_space<hbm>> -> memref<1024x32xf32, #tpu.memory_space<hbm>>
    tpu.wait_indirect_dma semaphore(%arg7 : memref<!tpu.dma_semaphore, #tpu.memory_space<semaphore_mem>>) src(%dma_wait3A_6 : memref<1024x32xf32, #tpu.memory_space<hbm>>) dst(%arg6 : memref<128x32xf32, #tpu.memory_space<vmem>>)
    "tpu.region"() ({
      %run_scoped3A = tpu.sem_alloc : memref<!tpu.dma_semaphore, #tpu.memory_space<semaphore_mem>>
      %dma_start3A_7 = arith.constant 0 : i32
      %dma_start3A_8 = tpu.memref_slice %arg4[%mul3A_2, %dma_start3A_7] : memref<4096x32xf32, #tpu.memory_space<hbm>> -> memref<128x32xf32, #tpu.memory_space<hbm>>
      %dma_start3A_9 = arith.constant 0 : i32
      %dma_start3A_10 = tpu.memref_slice %arg4[%mul3A_2, %dma_start3A_9] : memref<4096x32xf32, #tpu.memory_space<hbm>> -> memref<128x32xf32, #tpu.memory_space<hbm>>
      tpu.enqueue_dma source(%arg6 : memref<128x32xf32, #tpu.memory_space<vmem>>) target(%dma_start3A_10 : memref<128x32xf32, #tpu.memory_space<hbm>>) target_semaphore(%run_scoped3A : memref<!tpu.dma_semaphore, #tpu.memory_space<semaphore_mem>>)
      %dma_wait3A_11 = arith.constant 0 : i32
      %dma_wait3A_12 = tpu.memref_slice %arg4[%mul3A_2, %dma_wait3A_11] : memref<4096x32xf32, #tpu.memory_space<hbm>> -> memref<128x32xf32, #tpu.memory_space<hbm>>
      %dma_wait3A_13 = arith.constant 0 : i32
      %dma_wait3A_14 = tpu.memref_slice %arg4[%mul3A_2, %dma_wait3A_13] : memref<4096x32xf32, #tpu.memory_space<hbm>> -> memref<128x32xf32, #tpu.memory_space<hbm>>
      tpu.wait_dma2 semaphore(%run_scoped3A : memref<!tpu.dma_semaphore, #tpu.memory_space<semaphore_mem>>) src(%arg6 : memref<128x32xf32, #tpu.memory_space<vmem>>) dst(%dma_wait3A_14 : memref<128x32xf32, #tpu.memory_space<hbm>>)
      tpu.yield
    }) : () -> ()
    return
  }
}

module attributes {stable_mosaic.version = 14 : i64} {
  func.func @_argmin_body(%arg0: i32, %arg1: memref<256x32xf32, #tpu.memory_space<vmem>>, %arg2: memref<32x1024xf32, #tpu.memory_space<vmem>>, %arg3: memref<256x1xi32, #tpu.memory_space<vmem>>) attributes {dimension_semantics = [#tpu.dimension_semantics<arbitrary>], iteration_bounds = array<i64: 16>, scalar_prefetch = 0 : i64, scratch_operands = 0 : i64, tpu.core_type = #tpu.core_type<tc>, window_params = [{transform_indices = @transform_0, window_bounds = array<i64: 256, 32>}, {pipeline_mode = #tpu.pipeline_mode<synchronous>, transform_indices = @transform_1, window_bounds = array<i64: 32, 1024>}, {transform_indices = @transform_2, window_bounds = array<i64: 256, 1>}]} {
    %get3A = arith.constant 0 : index
    %get3A_0 = arith.constant 0 : index
    %get3A_1 = vector.load %arg1[%get3A, %get3A_0] : memref<256x32xf32, #tpu.memory_space<vmem>>, vector<256x32xf32>
    %get3A_2 = arith.constant 0 : index
    %get3A_3 = arith.constant 0 : index
    %get3A_4 = vector.load %arg2[%get3A_2, %get3A_3] : memref<32x1024xf32, #tpu.memory_space<vmem>>, vector<32x1024xf32>
    %slice3A = vector.extract_strided_slice %get3A_4 {offsets = [0, 0], sizes = [1, 1024], strides = [1, 1]} : vector<32x1024xf32> to vector<1x1024xf32>
    %squeeze3A = vector.shape_cast %slice3A : vector<1x1024xf32> to vector<1024xf32>
    %broadcast_in_dim3A = vector.shape_cast %squeeze3A : vector<1024xf32> to vector<1x1024xf32>
    %slice3A_5 = vector.extract_strided_slice %get3A_1 {offsets = [0, 0], sizes = [256, 1], strides = [1, 1]} : vector<256x32xf32> to vector<256x1xf32>
    %squeeze3A_6 = vector.shape_cast %slice3A_5 : vector<256x1xf32> to vector<256xf32>
    %broadcast_in_dim3A_7 = vector.shape_cast %squeeze3A_6 : vector<256xf32> to vector<256x1xf32>
    %sub3A = vector.broadcast %broadcast_in_dim3A : vector<1x1024xf32> to vector<256x1024xf32>
    %sub3A_8 = vector.broadcast %broadcast_in_dim3A_7 : vector<256x1xf32> to vector<256x1024xf32>
    %sub3A_9 = arith.subf %sub3A, %sub3A_8 : vector<256x1024xf32>
    %mul3A = arith.mulf %sub3A_9, %sub3A_9 : vector<256x1024xf32>
    %slice3A_10 = vector.extract_strided_slice %get3A_4 {offsets = [1, 0], sizes = [1, 1024], strides = [1, 1]} : vector<32x1024xf32> to vector<1x1024xf32>
    %squeeze3A_11 = vector.shape_cast %slice3A_10 : vector<1x1024xf32> to vector<1024xf32>
    %broadcast_in_dim3A_12 = vector.shape_cast %squeeze3A_11 : vector<1024xf32> to vector<1x1024xf32>
    %slice3A_13 = vector.extract_strided_slice %get3A_1 {offsets = [0, 1], sizes = [256, 1], strides = [1, 1]} : vector<256x32xf32> to vector<256x1xf32>
    %squeeze3A_14 = vector.shape_cast %slice3A_13 : vector<256x1xf32> to vector<256xf32>
    %broadcast_in_dim3A_15 = vector.shape_cast %squeeze3A_14 : vector<256xf32> to vector<256x1xf32>
    %sub3A_16 = vector.broadcast %broadcast_in_dim3A_12 : vector<1x1024xf32> to vector<256x1024xf32>
    %sub3A_17 = vector.broadcast %broadcast_in_dim3A_15 : vector<256x1xf32> to vector<256x1024xf32>
    %sub3A_18 = arith.subf %sub3A_16, %sub3A_17 : vector<256x1024xf32>
    %mul3A_19 = arith.mulf %sub3A_18, %sub3A_18 : vector<256x1024xf32>
    %slice3A_20 = vector.extract_strided_slice %get3A_4 {offsets = [2, 0], sizes = [1, 1024], strides = [1, 1]} : vector<32x1024xf32> to vector<1x1024xf32>
    %squeeze3A_21 = vector.shape_cast %slice3A_20 : vector<1x1024xf32> to vector<1024xf32>
    %broadcast_in_dim3A_22 = vector.shape_cast %squeeze3A_21 : vector<1024xf32> to vector<1x1024xf32>
    %slice3A_23 = vector.extract_strided_slice %get3A_1 {offsets = [0, 2], sizes = [256, 1], strides = [1, 1]} : vector<256x32xf32> to vector<256x1xf32>
    %squeeze3A_24 = vector.shape_cast %slice3A_23 : vector<256x1xf32> to vector<256xf32>
    %broadcast_in_dim3A_25 = vector.shape_cast %squeeze3A_24 : vector<256xf32> to vector<256x1xf32>
    %sub3A_26 = vector.broadcast %broadcast_in_dim3A_22 : vector<1x1024xf32> to vector<256x1024xf32>
    %sub3A_27 = vector.broadcast %broadcast_in_dim3A_25 : vector<256x1xf32> to vector<256x1024xf32>
    %sub3A_28 = arith.subf %sub3A_26, %sub3A_27 : vector<256x1024xf32>
    %mul3A_29 = arith.mulf %sub3A_28, %sub3A_28 : vector<256x1024xf32>
    %slice3A_30 = vector.extract_strided_slice %get3A_4 {offsets = [3, 0], sizes = [1, 1024], strides = [1, 1]} : vector<32x1024xf32> to vector<1x1024xf32>
    %squeeze3A_31 = vector.shape_cast %slice3A_30 : vector<1x1024xf32> to vector<1024xf32>
    %broadcast_in_dim3A_32 = vector.shape_cast %squeeze3A_31 : vector<1024xf32> to vector<1x1024xf32>
    %slice3A_33 = vector.extract_strided_slice %get3A_1 {offsets = [0, 3], sizes = [256, 1], strides = [1, 1]} : vector<256x32xf32> to vector<256x1xf32>
    %squeeze3A_34 = vector.shape_cast %slice3A_33 : vector<256x1xf32> to vector<256xf32>
    %broadcast_in_dim3A_35 = vector.shape_cast %squeeze3A_34 : vector<256xf32> to vector<256x1xf32>
    %sub3A_36 = vector.broadcast %broadcast_in_dim3A_32 : vector<1x1024xf32> to vector<256x1024xf32>
    %sub3A_37 = vector.broadcast %broadcast_in_dim3A_35 : vector<256x1xf32> to vector<256x1024xf32>
    %sub3A_38 = arith.subf %sub3A_36, %sub3A_37 : vector<256x1024xf32>
    %mul3A_39 = arith.mulf %sub3A_38, %sub3A_38 : vector<256x1024xf32>
    %slice3A_40 = vector.extract_strided_slice %get3A_4 {offsets = [4, 0], sizes = [1, 1024], strides = [1, 1]} : vector<32x1024xf32> to vector<1x1024xf32>
    %squeeze3A_41 = vector.shape_cast %slice3A_40 : vector<1x1024xf32> to vector<1024xf32>
    %broadcast_in_dim3A_42 = vector.shape_cast %squeeze3A_41 : vector<1024xf32> to vector<1x1024xf32>
    %slice3A_43 = vector.extract_strided_slice %get3A_1 {offsets = [0, 4], sizes = [256, 1], strides = [1, 1]} : vector<256x32xf32> to vector<256x1xf32>
    %squeeze3A_44 = vector.shape_cast %slice3A_43 : vector<256x1xf32> to vector<256xf32>
    %broadcast_in_dim3A_45 = vector.shape_cast %squeeze3A_44 : vector<256xf32> to vector<256x1xf32>
    %sub3A_46 = vector.broadcast %broadcast_in_dim3A_42 : vector<1x1024xf32> to vector<256x1024xf32>
    %sub3A_47 = vector.broadcast %broadcast_in_dim3A_45 : vector<256x1xf32> to vector<256x1024xf32>
    %sub3A_48 = arith.subf %sub3A_46, %sub3A_47 : vector<256x1024xf32>
    %mul3A_49 = arith.mulf %sub3A_48, %sub3A_48 : vector<256x1024xf32>
    %slice3A_50 = vector.extract_strided_slice %get3A_4 {offsets = [5, 0], sizes = [1, 1024], strides = [1, 1]} : vector<32x1024xf32> to vector<1x1024xf32>
    %squeeze3A_51 = vector.shape_cast %slice3A_50 : vector<1x1024xf32> to vector<1024xf32>
    %broadcast_in_dim3A_52 = vector.shape_cast %squeeze3A_51 : vector<1024xf32> to vector<1x1024xf32>
    %slice3A_53 = vector.extract_strided_slice %get3A_1 {offsets = [0, 5], sizes = [256, 1], strides = [1, 1]} : vector<256x32xf32> to vector<256x1xf32>
    %squeeze3A_54 = vector.shape_cast %slice3A_53 : vector<256x1xf32> to vector<256xf32>
    %broadcast_in_dim3A_55 = vector.shape_cast %squeeze3A_54 : vector<256xf32> to vector<256x1xf32>
    %sub3A_56 = vector.broadcast %broadcast_in_dim3A_52 : vector<1x1024xf32> to vector<256x1024xf32>
    %sub3A_57 = vector.broadcast %broadcast_in_dim3A_55 : vector<256x1xf32> to vector<256x1024xf32>
    %sub3A_58 = arith.subf %sub3A_56, %sub3A_57 : vector<256x1024xf32>
    %mul3A_59 = arith.mulf %sub3A_58, %sub3A_58 : vector<256x1024xf32>
    %slice3A_60 = vector.extract_strided_slice %get3A_4 {offsets = [6, 0], sizes = [1, 1024], strides = [1, 1]} : vector<32x1024xf32> to vector<1x1024xf32>
    %squeeze3A_61 = vector.shape_cast %slice3A_60 : vector<1x1024xf32> to vector<1024xf32>
    %broadcast_in_dim3A_62 = vector.shape_cast %squeeze3A_61 : vector<1024xf32> to vector<1x1024xf32>
    %slice3A_63 = vector.extract_strided_slice %get3A_1 {offsets = [0, 6], sizes = [256, 1], strides = [1, 1]} : vector<256x32xf32> to vector<256x1xf32>
    %squeeze3A_64 = vector.shape_cast %slice3A_63 : vector<256x1xf32> to vector<256xf32>
    %broadcast_in_dim3A_65 = vector.shape_cast %squeeze3A_64 : vector<256xf32> to vector<256x1xf32>
    %sub3A_66 = vector.broadcast %broadcast_in_dim3A_62 : vector<1x1024xf32> to vector<256x1024xf32>
    %sub3A_67 = vector.broadcast %broadcast_in_dim3A_65 : vector<256x1xf32> to vector<256x1024xf32>
    %sub3A_68 = arith.subf %sub3A_66, %sub3A_67 : vector<256x1024xf32>
    %mul3A_69 = arith.mulf %sub3A_68, %sub3A_68 : vector<256x1024xf32>
    %slice3A_70 = vector.extract_strided_slice %get3A_4 {offsets = [7, 0], sizes = [1, 1024], strides = [1, 1]} : vector<32x1024xf32> to vector<1x1024xf32>
    %squeeze3A_71 = vector.shape_cast %slice3A_70 : vector<1x1024xf32> to vector<1024xf32>
    %broadcast_in_dim3A_72 = vector.shape_cast %squeeze3A_71 : vector<1024xf32> to vector<1x1024xf32>
    %slice3A_73 = vector.extract_strided_slice %get3A_1 {offsets = [0, 7], sizes = [256, 1], strides = [1, 1]} : vector<256x32xf32> to vector<256x1xf32>
    %squeeze3A_74 = vector.shape_cast %slice3A_73 : vector<256x1xf32> to vector<256xf32>
    %broadcast_in_dim3A_75 = vector.shape_cast %squeeze3A_74 : vector<256xf32> to vector<256x1xf32>
    %sub3A_76 = vector.broadcast %broadcast_in_dim3A_72 : vector<1x1024xf32> to vector<256x1024xf32>
    %sub3A_77 = vector.broadcast %broadcast_in_dim3A_75 : vector<256x1xf32> to vector<256x1024xf32>
    %sub3A_78 = arith.subf %sub3A_76, %sub3A_77 : vector<256x1024xf32>
    %mul3A_79 = arith.mulf %sub3A_78, %sub3A_78 : vector<256x1024xf32>
    %add3A = arith.addf %mul3A, %mul3A_49 : vector<256x1024xf32>
    %add3A_80 = arith.addf %mul3A_19, %mul3A_59 : vector<256x1024xf32>
    %add3A_81 = arith.addf %mul3A_29, %mul3A_69 : vector<256x1024xf32>
    %add3A_82 = arith.addf %mul3A_39, %mul3A_79 : vector<256x1024xf32>
    %add3A_83 = arith.addf %add3A, %add3A_81 : vector<256x1024xf32>
    %add3A_84 = arith.addf %add3A_80, %add3A_82 : vector<256x1024xf32>
    %add3A_85 = arith.addf %add3A_83, %add3A_84 : vector<256x1024xf32>
    %slice3A_86 = vector.extract_strided_slice %get3A_4 {offsets = [8, 0], sizes = [1, 1024], strides = [1, 1]} : vector<32x1024xf32> to vector<1x1024xf32>
    %squeeze3A_87 = vector.shape_cast %slice3A_86 : vector<1x1024xf32> to vector<1024xf32>
    %broadcast_in_dim3A_88 = vector.shape_cast %squeeze3A_87 : vector<1024xf32> to vector<1x1024xf32>
    %slice3A_89 = vector.extract_strided_slice %get3A_1 {offsets = [0, 8], sizes = [256, 1], strides = [1, 1]} : vector<256x32xf32> to vector<256x1xf32>
    %squeeze3A_90 = vector.shape_cast %slice3A_89 : vector<256x1xf32> to vector<256xf32>
    %broadcast_in_dim3A_91 = vector.shape_cast %squeeze3A_90 : vector<256xf32> to vector<256x1xf32>
    %sub3A_92 = vector.broadcast %broadcast_in_dim3A_88 : vector<1x1024xf32> to vector<256x1024xf32>
    %sub3A_93 = vector.broadcast %broadcast_in_dim3A_91 : vector<256x1xf32> to vector<256x1024xf32>
    %sub3A_94 = arith.subf %sub3A_92, %sub3A_93 : vector<256x1024xf32>
    %mul3A_95 = arith.mulf %sub3A_94, %sub3A_94 : vector<256x1024xf32>
    %slice3A_96 = vector.extract_strided_slice %get3A_4 {offsets = [9, 0], sizes = [1, 1024], strides = [1, 1]} : vector<32x1024xf32> to vector<1x1024xf32>
    %squeeze3A_97 = vector.shape_cast %slice3A_96 : vector<1x1024xf32> to vector<1024xf32>
    %broadcast_in_dim3A_98 = vector.shape_cast %squeeze3A_97 : vector<1024xf32> to vector<1x1024xf32>
    %slice3A_99 = vector.extract_strided_slice %get3A_1 {offsets = [0, 9], sizes = [256, 1], strides = [1, 1]} : vector<256x32xf32> to vector<256x1xf32>
    %squeeze3A_100 = vector.shape_cast %slice3A_99 : vector<256x1xf32> to vector<256xf32>
    %broadcast_in_dim3A_101 = vector.shape_cast %squeeze3A_100 : vector<256xf32> to vector<256x1xf32>
    %sub3A_102 = vector.broadcast %broadcast_in_dim3A_98 : vector<1x1024xf32> to vector<256x1024xf32>
    %sub3A_103 = vector.broadcast %broadcast_in_dim3A_101 : vector<256x1xf32> to vector<256x1024xf32>
    %sub3A_104 = arith.subf %sub3A_102, %sub3A_103 : vector<256x1024xf32>
    %mul3A_105 = arith.mulf %sub3A_104, %sub3A_104 : vector<256x1024xf32>
    %slice3A_106 = vector.extract_strided_slice %get3A_4 {offsets = [10, 0], sizes = [1, 1024], strides = [1, 1]} : vector<32x1024xf32> to vector<1x1024xf32>
    %squeeze3A_107 = vector.shape_cast %slice3A_106 : vector<1x1024xf32> to vector<1024xf32>
    %broadcast_in_dim3A_108 = vector.shape_cast %squeeze3A_107 : vector<1024xf32> to vector<1x1024xf32>
    %slice3A_109 = vector.extract_strided_slice %get3A_1 {offsets = [0, 10], sizes = [256, 1], strides = [1, 1]} : vector<256x32xf32> to vector<256x1xf32>
    %squeeze3A_110 = vector.shape_cast %slice3A_109 : vector<256x1xf32> to vector<256xf32>
    %broadcast_in_dim3A_111 = vector.shape_cast %squeeze3A_110 : vector<256xf32> to vector<256x1xf32>
    %sub3A_112 = vector.broadcast %broadcast_in_dim3A_108 : vector<1x1024xf32> to vector<256x1024xf32>
    %sub3A_113 = vector.broadcast %broadcast_in_dim3A_111 : vector<256x1xf32> to vector<256x1024xf32>
    %sub3A_114 = arith.subf %sub3A_112, %sub3A_113 : vector<256x1024xf32>
    %mul3A_115 = arith.mulf %sub3A_114, %sub3A_114 : vector<256x1024xf32>
    %slice3A_116 = vector.extract_strided_slice %get3A_4 {offsets = [11, 0], sizes = [1, 1024], strides = [1, 1]} : vector<32x1024xf32> to vector<1x1024xf32>
    %squeeze3A_117 = vector.shape_cast %slice3A_116 : vector<1x1024xf32> to vector<1024xf32>
    %broadcast_in_dim3A_118 = vector.shape_cast %squeeze3A_117 : vector<1024xf32> to vector<1x1024xf32>
    %slice3A_119 = vector.extract_strided_slice %get3A_1 {offsets = [0, 11], sizes = [256, 1], strides = [1, 1]} : vector<256x32xf32> to vector<256x1xf32>
    %squeeze3A_120 = vector.shape_cast %slice3A_119 : vector<256x1xf32> to vector<256xf32>
    %broadcast_in_dim3A_121 = vector.shape_cast %squeeze3A_120 : vector<256xf32> to vector<256x1xf32>
    %sub3A_122 = vector.broadcast %broadcast_in_dim3A_118 : vector<1x1024xf32> to vector<256x1024xf32>
    %sub3A_123 = vector.broadcast %broadcast_in_dim3A_121 : vector<256x1xf32> to vector<256x1024xf32>
    %sub3A_124 = arith.subf %sub3A_122, %sub3A_123 : vector<256x1024xf32>
    %mul3A_125 = arith.mulf %sub3A_124, %sub3A_124 : vector<256x1024xf32>
    %slice3A_126 = vector.extract_strided_slice %get3A_4 {offsets = [12, 0], sizes = [1, 1024], strides = [1, 1]} : vector<32x1024xf32> to vector<1x1024xf32>
    %squeeze3A_127 = vector.shape_cast %slice3A_126 : vector<1x1024xf32> to vector<1024xf32>
    %broadcast_in_dim3A_128 = vector.shape_cast %squeeze3A_127 : vector<1024xf32> to vector<1x1024xf32>
    %slice3A_129 = vector.extract_strided_slice %get3A_1 {offsets = [0, 12], sizes = [256, 1], strides = [1, 1]} : vector<256x32xf32> to vector<256x1xf32>
    %squeeze3A_130 = vector.shape_cast %slice3A_129 : vector<256x1xf32> to vector<256xf32>
    %broadcast_in_dim3A_131 = vector.shape_cast %squeeze3A_130 : vector<256xf32> to vector<256x1xf32>
    %sub3A_132 = vector.broadcast %broadcast_in_dim3A_128 : vector<1x1024xf32> to vector<256x1024xf32>
    %sub3A_133 = vector.broadcast %broadcast_in_dim3A_131 : vector<256x1xf32> to vector<256x1024xf32>
    %sub3A_134 = arith.subf %sub3A_132, %sub3A_133 : vector<256x1024xf32>
    %mul3A_135 = arith.mulf %sub3A_134, %sub3A_134 : vector<256x1024xf32>
    %slice3A_136 = vector.extract_strided_slice %get3A_4 {offsets = [13, 0], sizes = [1, 1024], strides = [1, 1]} : vector<32x1024xf32> to vector<1x1024xf32>
    %squeeze3A_137 = vector.shape_cast %slice3A_136 : vector<1x1024xf32> to vector<1024xf32>
    %broadcast_in_dim3A_138 = vector.shape_cast %squeeze3A_137 : vector<1024xf32> to vector<1x1024xf32>
    %slice3A_139 = vector.extract_strided_slice %get3A_1 {offsets = [0, 13], sizes = [256, 1], strides = [1, 1]} : vector<256x32xf32> to vector<256x1xf32>
    %squeeze3A_140 = vector.shape_cast %slice3A_139 : vector<256x1xf32> to vector<256xf32>
    %broadcast_in_dim3A_141 = vector.shape_cast %squeeze3A_140 : vector<256xf32> to vector<256x1xf32>
    %sub3A_142 = vector.broadcast %broadcast_in_dim3A_138 : vector<1x1024xf32> to vector<256x1024xf32>
    %sub3A_143 = vector.broadcast %broadcast_in_dim3A_141 : vector<256x1xf32> to vector<256x1024xf32>
    %sub3A_144 = arith.subf %sub3A_142, %sub3A_143 : vector<256x1024xf32>
    %mul3A_145 = arith.mulf %sub3A_144, %sub3A_144 : vector<256x1024xf32>
    %slice3A_146 = vector.extract_strided_slice %get3A_4 {offsets = [14, 0], sizes = [1, 1024], strides = [1, 1]} : vector<32x1024xf32> to vector<1x1024xf32>
    %squeeze3A_147 = vector.shape_cast %slice3A_146 : vector<1x1024xf32> to vector<1024xf32>
    %broadcast_in_dim3A_148 = vector.shape_cast %squeeze3A_147 : vector<1024xf32> to vector<1x1024xf32>
    %slice3A_149 = vector.extract_strided_slice %get3A_1 {offsets = [0, 14], sizes = [256, 1], strides = [1, 1]} : vector<256x32xf32> to vector<256x1xf32>
    %squeeze3A_150 = vector.shape_cast %slice3A_149 : vector<256x1xf32> to vector<256xf32>
    %broadcast_in_dim3A_151 = vector.shape_cast %squeeze3A_150 : vector<256xf32> to vector<256x1xf32>
    %sub3A_152 = vector.broadcast %broadcast_in_dim3A_148 : vector<1x1024xf32> to vector<256x1024xf32>
    %sub3A_153 = vector.broadcast %broadcast_in_dim3A_151 : vector<256x1xf32> to vector<256x1024xf32>
    %sub3A_154 = arith.subf %sub3A_152, %sub3A_153 : vector<256x1024xf32>
    %mul3A_155 = arith.mulf %sub3A_154, %sub3A_154 : vector<256x1024xf32>
    %slice3A_156 = vector.extract_strided_slice %get3A_4 {offsets = [15, 0], sizes = [1, 1024], strides = [1, 1]} : vector<32x1024xf32> to vector<1x1024xf32>
    %squeeze3A_157 = vector.shape_cast %slice3A_156 : vector<1x1024xf32> to vector<1024xf32>
    %broadcast_in_dim3A_158 = vector.shape_cast %squeeze3A_157 : vector<1024xf32> to vector<1x1024xf32>
    %slice3A_159 = vector.extract_strided_slice %get3A_1 {offsets = [0, 15], sizes = [256, 1], strides = [1, 1]} : vector<256x32xf32> to vector<256x1xf32>
    %squeeze3A_160 = vector.shape_cast %slice3A_159 : vector<256x1xf32> to vector<256xf32>
    %broadcast_in_dim3A_161 = vector.shape_cast %squeeze3A_160 : vector<256xf32> to vector<256x1xf32>
    %sub3A_162 = vector.broadcast %broadcast_in_dim3A_158 : vector<1x1024xf32> to vector<256x1024xf32>
    %sub3A_163 = vector.broadcast %broadcast_in_dim3A_161 : vector<256x1xf32> to vector<256x1024xf32>
    %sub3A_164 = arith.subf %sub3A_162, %sub3A_163 : vector<256x1024xf32>
    %mul3A_165 = arith.mulf %sub3A_164, %sub3A_164 : vector<256x1024xf32>
    %add3A_166 = arith.addf %mul3A_95, %mul3A_135 : vector<256x1024xf32>
    %add3A_167 = arith.addf %mul3A_105, %mul3A_145 : vector<256x1024xf32>
    %add3A_168 = arith.addf %mul3A_115, %mul3A_155 : vector<256x1024xf32>
    %add3A_169 = arith.addf %mul3A_125, %mul3A_165 : vector<256x1024xf32>
    %add3A_170 = arith.addf %add3A_166, %add3A_168 : vector<256x1024xf32>
    %add3A_171 = arith.addf %add3A_167, %add3A_169 : vector<256x1024xf32>
    %add3A_172 = arith.addf %add3A_170, %add3A_171 : vector<256x1024xf32>
    %add3A_173 = arith.addf %add3A_85, %add3A_172 : vector<256x1024xf32>
    %slice3A_174 = vector.extract_strided_slice %get3A_4 {offsets = [16, 0], sizes = [1, 1024], strides = [1, 1]} : vector<32x1024xf32> to vector<1x1024xf32>
    %squeeze3A_175 = vector.shape_cast %slice3A_174 : vector<1x1024xf32> to vector<1024xf32>
    %broadcast_in_dim3A_176 = vector.shape_cast %squeeze3A_175 : vector<1024xf32> to vector<1x1024xf32>
    %slice3A_177 = vector.extract_strided_slice %get3A_1 {offsets = [0, 16], sizes = [256, 1], strides = [1, 1]} : vector<256x32xf32> to vector<256x1xf32>
    %squeeze3A_178 = vector.shape_cast %slice3A_177 : vector<256x1xf32> to vector<256xf32>
    %broadcast_in_dim3A_179 = vector.shape_cast %squeeze3A_178 : vector<256xf32> to vector<256x1xf32>
    %sub3A_180 = vector.broadcast %broadcast_in_dim3A_176 : vector<1x1024xf32> to vector<256x1024xf32>
    %sub3A_181 = vector.broadcast %broadcast_in_dim3A_179 : vector<256x1xf32> to vector<256x1024xf32>
    %sub3A_182 = arith.subf %sub3A_180, %sub3A_181 : vector<256x1024xf32>
    %mul3A_183 = arith.mulf %sub3A_182, %sub3A_182 : vector<256x1024xf32>
    %slice3A_184 = vector.extract_strided_slice %get3A_4 {offsets = [17, 0], sizes = [1, 1024], strides = [1, 1]} : vector<32x1024xf32> to vector<1x1024xf32>
    %squeeze3A_185 = vector.shape_cast %slice3A_184 : vector<1x1024xf32> to vector<1024xf32>
    %broadcast_in_dim3A_186 = vector.shape_cast %squeeze3A_185 : vector<1024xf32> to vector<1x1024xf32>
    %slice3A_187 = vector.extract_strided_slice %get3A_1 {offsets = [0, 17], sizes = [256, 1], strides = [1, 1]} : vector<256x32xf32> to vector<256x1xf32>
    %squeeze3A_188 = vector.shape_cast %slice3A_187 : vector<256x1xf32> to vector<256xf32>
    %broadcast_in_dim3A_189 = vector.shape_cast %squeeze3A_188 : vector<256xf32> to vector<256x1xf32>
    %sub3A_190 = vector.broadcast %broadcast_in_dim3A_186 : vector<1x1024xf32> to vector<256x1024xf32>
    %sub3A_191 = vector.broadcast %broadcast_in_dim3A_189 : vector<256x1xf32> to vector<256x1024xf32>
    %sub3A_192 = arith.subf %sub3A_190, %sub3A_191 : vector<256x1024xf32>
    %mul3A_193 = arith.mulf %sub3A_192, %sub3A_192 : vector<256x1024xf32>
    %slice3A_194 = vector.extract_strided_slice %get3A_4 {offsets = [18, 0], sizes = [1, 1024], strides = [1, 1]} : vector<32x1024xf32> to vector<1x1024xf32>
    %squeeze3A_195 = vector.shape_cast %slice3A_194 : vector<1x1024xf32> to vector<1024xf32>
    %broadcast_in_dim3A_196 = vector.shape_cast %squeeze3A_195 : vector<1024xf32> to vector<1x1024xf32>
    %slice3A_197 = vector.extract_strided_slice %get3A_1 {offsets = [0, 18], sizes = [256, 1], strides = [1, 1]} : vector<256x32xf32> to vector<256x1xf32>
    %squeeze3A_198 = vector.shape_cast %slice3A_197 : vector<256x1xf32> to vector<256xf32>
    %broadcast_in_dim3A_199 = vector.shape_cast %squeeze3A_198 : vector<256xf32> to vector<256x1xf32>
    %sub3A_200 = vector.broadcast %broadcast_in_dim3A_196 : vector<1x1024xf32> to vector<256x1024xf32>
    %sub3A_201 = vector.broadcast %broadcast_in_dim3A_199 : vector<256x1xf32> to vector<256x1024xf32>
    %sub3A_202 = arith.subf %sub3A_200, %sub3A_201 : vector<256x1024xf32>
    %mul3A_203 = arith.mulf %sub3A_202, %sub3A_202 : vector<256x1024xf32>
    %slice3A_204 = vector.extract_strided_slice %get3A_4 {offsets = [19, 0], sizes = [1, 1024], strides = [1, 1]} : vector<32x1024xf32> to vector<1x1024xf32>
    %squeeze3A_205 = vector.shape_cast %slice3A_204 : vector<1x1024xf32> to vector<1024xf32>
    %broadcast_in_dim3A_206 = vector.shape_cast %squeeze3A_205 : vector<1024xf32> to vector<1x1024xf32>
    %slice3A_207 = vector.extract_strided_slice %get3A_1 {offsets = [0, 19], sizes = [256, 1], strides = [1, 1]} : vector<256x32xf32> to vector<256x1xf32>
    %squeeze3A_208 = vector.shape_cast %slice3A_207 : vector<256x1xf32> to vector<256xf32>
    %broadcast_in_dim3A_209 = vector.shape_cast %squeeze3A_208 : vector<256xf32> to vector<256x1xf32>
    %sub3A_210 = vector.broadcast %broadcast_in_dim3A_206 : vector<1x1024xf32> to vector<256x1024xf32>
    %sub3A_211 = vector.broadcast %broadcast_in_dim3A_209 : vector<256x1xf32> to vector<256x1024xf32>
    %sub3A_212 = arith.subf %sub3A_210, %sub3A_211 : vector<256x1024xf32>
    %mul3A_213 = arith.mulf %sub3A_212, %sub3A_212 : vector<256x1024xf32>
    %slice3A_214 = vector.extract_strided_slice %get3A_4 {offsets = [20, 0], sizes = [1, 1024], strides = [1, 1]} : vector<32x1024xf32> to vector<1x1024xf32>
    %squeeze3A_215 = vector.shape_cast %slice3A_214 : vector<1x1024xf32> to vector<1024xf32>
    %broadcast_in_dim3A_216 = vector.shape_cast %squeeze3A_215 : vector<1024xf32> to vector<1x1024xf32>
    %slice3A_217 = vector.extract_strided_slice %get3A_1 {offsets = [0, 20], sizes = [256, 1], strides = [1, 1]} : vector<256x32xf32> to vector<256x1xf32>
    %squeeze3A_218 = vector.shape_cast %slice3A_217 : vector<256x1xf32> to vector<256xf32>
    %broadcast_in_dim3A_219 = vector.shape_cast %squeeze3A_218 : vector<256xf32> to vector<256x1xf32>
    %sub3A_220 = vector.broadcast %broadcast_in_dim3A_216 : vector<1x1024xf32> to vector<256x1024xf32>
    %sub3A_221 = vector.broadcast %broadcast_in_dim3A_219 : vector<256x1xf32> to vector<256x1024xf32>
    %sub3A_222 = arith.subf %sub3A_220, %sub3A_221 : vector<256x1024xf32>
    %mul3A_223 = arith.mulf %sub3A_222, %sub3A_222 : vector<256x1024xf32>
    %slice3A_224 = vector.extract_strided_slice %get3A_4 {offsets = [21, 0], sizes = [1, 1024], strides = [1, 1]} : vector<32x1024xf32> to vector<1x1024xf32>
    %squeeze3A_225 = vector.shape_cast %slice3A_224 : vector<1x1024xf32> to vector<1024xf32>
    %broadcast_in_dim3A_226 = vector.shape_cast %squeeze3A_225 : vector<1024xf32> to vector<1x1024xf32>
    %slice3A_227 = vector.extract_strided_slice %get3A_1 {offsets = [0, 21], sizes = [256, 1], strides = [1, 1]} : vector<256x32xf32> to vector<256x1xf32>
    %squeeze3A_228 = vector.shape_cast %slice3A_227 : vector<256x1xf32> to vector<256xf32>
    %broadcast_in_dim3A_229 = vector.shape_cast %squeeze3A_228 : vector<256xf32> to vector<256x1xf32>
    %sub3A_230 = vector.broadcast %broadcast_in_dim3A_226 : vector<1x1024xf32> to vector<256x1024xf32>
    %sub3A_231 = vector.broadcast %broadcast_in_dim3A_229 : vector<256x1xf32> to vector<256x1024xf32>
    %sub3A_232 = arith.subf %sub3A_230, %sub3A_231 : vector<256x1024xf32>
    %mul3A_233 = arith.mulf %sub3A_232, %sub3A_232 : vector<256x1024xf32>
    %slice3A_234 = vector.extract_strided_slice %get3A_4 {offsets = [22, 0], sizes = [1, 1024], strides = [1, 1]} : vector<32x1024xf32> to vector<1x1024xf32>
    %squeeze3A_235 = vector.shape_cast %slice3A_234 : vector<1x1024xf32> to vector<1024xf32>
    %broadcast_in_dim3A_236 = vector.shape_cast %squeeze3A_235 : vector<1024xf32> to vector<1x1024xf32>
    %slice3A_237 = vector.extract_strided_slice %get3A_1 {offsets = [0, 22], sizes = [256, 1], strides = [1, 1]} : vector<256x32xf32> to vector<256x1xf32>
    %squeeze3A_238 = vector.shape_cast %slice3A_237 : vector<256x1xf32> to vector<256xf32>
    %broadcast_in_dim3A_239 = vector.shape_cast %squeeze3A_238 : vector<256xf32> to vector<256x1xf32>
    %sub3A_240 = vector.broadcast %broadcast_in_dim3A_236 : vector<1x1024xf32> to vector<256x1024xf32>
    %sub3A_241 = vector.broadcast %broadcast_in_dim3A_239 : vector<256x1xf32> to vector<256x1024xf32>
    %sub3A_242 = arith.subf %sub3A_240, %sub3A_241 : vector<256x1024xf32>
    %mul3A_243 = arith.mulf %sub3A_242, %sub3A_242 : vector<256x1024xf32>
    %slice3A_244 = vector.extract_strided_slice %get3A_4 {offsets = [23, 0], sizes = [1, 1024], strides = [1, 1]} : vector<32x1024xf32> to vector<1x1024xf32>
    %squeeze3A_245 = vector.shape_cast %slice3A_244 : vector<1x1024xf32> to vector<1024xf32>
    %broadcast_in_dim3A_246 = vector.shape_cast %squeeze3A_245 : vector<1024xf32> to vector<1x1024xf32>
    %slice3A_247 = vector.extract_strided_slice %get3A_1 {offsets = [0, 23], sizes = [256, 1], strides = [1, 1]} : vector<256x32xf32> to vector<256x1xf32>
    %squeeze3A_248 = vector.shape_cast %slice3A_247 : vector<256x1xf32> to vector<256xf32>
    %broadcast_in_dim3A_249 = vector.shape_cast %squeeze3A_248 : vector<256xf32> to vector<256x1xf32>
    %sub3A_250 = vector.broadcast %broadcast_in_dim3A_246 : vector<1x1024xf32> to vector<256x1024xf32>
    %sub3A_251 = vector.broadcast %broadcast_in_dim3A_249 : vector<256x1xf32> to vector<256x1024xf32>
    %sub3A_252 = arith.subf %sub3A_250, %sub3A_251 : vector<256x1024xf32>
    %mul3A_253 = arith.mulf %sub3A_252, %sub3A_252 : vector<256x1024xf32>
    %add3A_254 = arith.addf %mul3A_183, %mul3A_223 : vector<256x1024xf32>
    %add3A_255 = arith.addf %mul3A_193, %mul3A_233 : vector<256x1024xf32>
    %add3A_256 = arith.addf %mul3A_203, %mul3A_243 : vector<256x1024xf32>
    %add3A_257 = arith.addf %mul3A_213, %mul3A_253 : vector<256x1024xf32>
    %add3A_258 = arith.addf %add3A_254, %add3A_256 : vector<256x1024xf32>
    %add3A_259 = arith.addf %add3A_255, %add3A_257 : vector<256x1024xf32>
    %add3A_260 = arith.addf %add3A_258, %add3A_259 : vector<256x1024xf32>
    %add3A_261 = arith.addf %add3A_173, %add3A_260 : vector<256x1024xf32>
    %slice3A_262 = vector.extract_strided_slice %get3A_4 {offsets = [24, 0], sizes = [1, 1024], strides = [1, 1]} : vector<32x1024xf32> to vector<1x1024xf32>
    %squeeze3A_263 = vector.shape_cast %slice3A_262 : vector<1x1024xf32> to vector<1024xf32>
    %broadcast_in_dim3A_264 = vector.shape_cast %squeeze3A_263 : vector<1024xf32> to vector<1x1024xf32>
    %slice3A_265 = vector.extract_strided_slice %get3A_1 {offsets = [0, 24], sizes = [256, 1], strides = [1, 1]} : vector<256x32xf32> to vector<256x1xf32>
    %squeeze3A_266 = vector.shape_cast %slice3A_265 : vector<256x1xf32> to vector<256xf32>
    %broadcast_in_dim3A_267 = vector.shape_cast %squeeze3A_266 : vector<256xf32> to vector<256x1xf32>
    %sub3A_268 = vector.broadcast %broadcast_in_dim3A_264 : vector<1x1024xf32> to vector<256x1024xf32>
    %sub3A_269 = vector.broadcast %broadcast_in_dim3A_267 : vector<256x1xf32> to vector<256x1024xf32>
    %sub3A_270 = arith.subf %sub3A_268, %sub3A_269 : vector<256x1024xf32>
    %mul3A_271 = arith.mulf %sub3A_270, %sub3A_270 : vector<256x1024xf32>
    %slice3A_272 = vector.extract_strided_slice %get3A_4 {offsets = [25, 0], sizes = [1, 1024], strides = [1, 1]} : vector<32x1024xf32> to vector<1x1024xf32>
    %squeeze3A_273 = vector.shape_cast %slice3A_272 : vector<1x1024xf32> to vector<1024xf32>
    %broadcast_in_dim3A_274 = vector.shape_cast %squeeze3A_273 : vector<1024xf32> to vector<1x1024xf32>
    %slice3A_275 = vector.extract_strided_slice %get3A_1 {offsets = [0, 25], sizes = [256, 1], strides = [1, 1]} : vector<256x32xf32> to vector<256x1xf32>
    %squeeze3A_276 = vector.shape_cast %slice3A_275 : vector<256x1xf32> to vector<256xf32>
    %broadcast_in_dim3A_277 = vector.shape_cast %squeeze3A_276 : vector<256xf32> to vector<256x1xf32>
    %sub3A_278 = vector.broadcast %broadcast_in_dim3A_274 : vector<1x1024xf32> to vector<256x1024xf32>
    %sub3A_279 = vector.broadcast %broadcast_in_dim3A_277 : vector<256x1xf32> to vector<256x1024xf32>
    %sub3A_280 = arith.subf %sub3A_278, %sub3A_279 : vector<256x1024xf32>
    %mul3A_281 = arith.mulf %sub3A_280, %sub3A_280 : vector<256x1024xf32>
    %slice3A_282 = vector.extract_strided_slice %get3A_4 {offsets = [26, 0], sizes = [1, 1024], strides = [1, 1]} : vector<32x1024xf32> to vector<1x1024xf32>
    %squeeze3A_283 = vector.shape_cast %slice3A_282 : vector<1x1024xf32> to vector<1024xf32>
    %broadcast_in_dim3A_284 = vector.shape_cast %squeeze3A_283 : vector<1024xf32> to vector<1x1024xf32>
    %slice3A_285 = vector.extract_strided_slice %get3A_1 {offsets = [0, 26], sizes = [256, 1], strides = [1, 1]} : vector<256x32xf32> to vector<256x1xf32>
    %squeeze3A_286 = vector.shape_cast %slice3A_285 : vector<256x1xf32> to vector<256xf32>
    %broadcast_in_dim3A_287 = vector.shape_cast %squeeze3A_286 : vector<256xf32> to vector<256x1xf32>
    %sub3A_288 = vector.broadcast %broadcast_in_dim3A_284 : vector<1x1024xf32> to vector<256x1024xf32>
    %sub3A_289 = vector.broadcast %broadcast_in_dim3A_287 : vector<256x1xf32> to vector<256x1024xf32>
    %sub3A_290 = arith.subf %sub3A_288, %sub3A_289 : vector<256x1024xf32>
    %mul3A_291 = arith.mulf %sub3A_290, %sub3A_290 : vector<256x1024xf32>
    %slice3A_292 = vector.extract_strided_slice %get3A_4 {offsets = [27, 0], sizes = [1, 1024], strides = [1, 1]} : vector<32x1024xf32> to vector<1x1024xf32>
    %squeeze3A_293 = vector.shape_cast %slice3A_292 : vector<1x1024xf32> to vector<1024xf32>
    %broadcast_in_dim3A_294 = vector.shape_cast %squeeze3A_293 : vector<1024xf32> to vector<1x1024xf32>
    %slice3A_295 = vector.extract_strided_slice %get3A_1 {offsets = [0, 27], sizes = [256, 1], strides = [1, 1]} : vector<256x32xf32> to vector<256x1xf32>
    %squeeze3A_296 = vector.shape_cast %slice3A_295 : vector<256x1xf32> to vector<256xf32>
    %broadcast_in_dim3A_297 = vector.shape_cast %squeeze3A_296 : vector<256xf32> to vector<256x1xf32>
    %sub3A_298 = vector.broadcast %broadcast_in_dim3A_294 : vector<1x1024xf32> to vector<256x1024xf32>
    %sub3A_299 = vector.broadcast %broadcast_in_dim3A_297 : vector<256x1xf32> to vector<256x1024xf32>
    %sub3A_300 = arith.subf %sub3A_298, %sub3A_299 : vector<256x1024xf32>
    %mul3A_301 = arith.mulf %sub3A_300, %sub3A_300 : vector<256x1024xf32>
    %slice3A_302 = vector.extract_strided_slice %get3A_4 {offsets = [28, 0], sizes = [1, 1024], strides = [1, 1]} : vector<32x1024xf32> to vector<1x1024xf32>
    %squeeze3A_303 = vector.shape_cast %slice3A_302 : vector<1x1024xf32> to vector<1024xf32>
    %broadcast_in_dim3A_304 = vector.shape_cast %squeeze3A_303 : vector<1024xf32> to vector<1x1024xf32>
    %slice3A_305 = vector.extract_strided_slice %get3A_1 {offsets = [0, 28], sizes = [256, 1], strides = [1, 1]} : vector<256x32xf32> to vector<256x1xf32>
    %squeeze3A_306 = vector.shape_cast %slice3A_305 : vector<256x1xf32> to vector<256xf32>
    %broadcast_in_dim3A_307 = vector.shape_cast %squeeze3A_306 : vector<256xf32> to vector<256x1xf32>
    %sub3A_308 = vector.broadcast %broadcast_in_dim3A_304 : vector<1x1024xf32> to vector<256x1024xf32>
    %sub3A_309 = vector.broadcast %broadcast_in_dim3A_307 : vector<256x1xf32> to vector<256x1024xf32>
    %sub3A_310 = arith.subf %sub3A_308, %sub3A_309 : vector<256x1024xf32>
    %mul3A_311 = arith.mulf %sub3A_310, %sub3A_310 : vector<256x1024xf32>
    %slice3A_312 = vector.extract_strided_slice %get3A_4 {offsets = [29, 0], sizes = [1, 1024], strides = [1, 1]} : vector<32x1024xf32> to vector<1x1024xf32>
    %squeeze3A_313 = vector.shape_cast %slice3A_312 : vector<1x1024xf32> to vector<1024xf32>
    %broadcast_in_dim3A_314 = vector.shape_cast %squeeze3A_313 : vector<1024xf32> to vector<1x1024xf32>
    %slice3A_315 = vector.extract_strided_slice %get3A_1 {offsets = [0, 29], sizes = [256, 1], strides = [1, 1]} : vector<256x32xf32> to vector<256x1xf32>
    %squeeze3A_316 = vector.shape_cast %slice3A_315 : vector<256x1xf32> to vector<256xf32>
    %broadcast_in_dim3A_317 = vector.shape_cast %squeeze3A_316 : vector<256xf32> to vector<256x1xf32>
    %sub3A_318 = vector.broadcast %broadcast_in_dim3A_314 : vector<1x1024xf32> to vector<256x1024xf32>
    %sub3A_319 = vector.broadcast %broadcast_in_dim3A_317 : vector<256x1xf32> to vector<256x1024xf32>
    %sub3A_320 = arith.subf %sub3A_318, %sub3A_319 : vector<256x1024xf32>
    %mul3A_321 = arith.mulf %sub3A_320, %sub3A_320 : vector<256x1024xf32>
    %slice3A_322 = vector.extract_strided_slice %get3A_4 {offsets = [30, 0], sizes = [1, 1024], strides = [1, 1]} : vector<32x1024xf32> to vector<1x1024xf32>
    %squeeze3A_323 = vector.shape_cast %slice3A_322 : vector<1x1024xf32> to vector<1024xf32>
    %broadcast_in_dim3A_324 = vector.shape_cast %squeeze3A_323 : vector<1024xf32> to vector<1x1024xf32>
    %slice3A_325 = vector.extract_strided_slice %get3A_1 {offsets = [0, 30], sizes = [256, 1], strides = [1, 1]} : vector<256x32xf32> to vector<256x1xf32>
    %squeeze3A_326 = vector.shape_cast %slice3A_325 : vector<256x1xf32> to vector<256xf32>
    %broadcast_in_dim3A_327 = vector.shape_cast %squeeze3A_326 : vector<256xf32> to vector<256x1xf32>
    %sub3A_328 = vector.broadcast %broadcast_in_dim3A_324 : vector<1x1024xf32> to vector<256x1024xf32>
    %sub3A_329 = vector.broadcast %broadcast_in_dim3A_327 : vector<256x1xf32> to vector<256x1024xf32>
    %sub3A_330 = arith.subf %sub3A_328, %sub3A_329 : vector<256x1024xf32>
    %mul3A_331 = arith.mulf %sub3A_330, %sub3A_330 : vector<256x1024xf32>
    %slice3A_332 = vector.extract_strided_slice %get3A_4 {offsets = [31, 0], sizes = [1, 1024], strides = [1, 1]} : vector<32x1024xf32> to vector<1x1024xf32>
    %squeeze3A_333 = vector.shape_cast %slice3A_332 : vector<1x1024xf32> to vector<1024xf32>
    %broadcast_in_dim3A_334 = vector.shape_cast %squeeze3A_333 : vector<1024xf32> to vector<1x1024xf32>
    %slice3A_335 = vector.extract_strided_slice %get3A_1 {offsets = [0, 31], sizes = [256, 1], strides = [1, 1]} : vector<256x32xf32> to vector<256x1xf32>
    %squeeze3A_336 = vector.shape_cast %slice3A_335 : vector<256x1xf32> to vector<256xf32>
    %broadcast_in_dim3A_337 = vector.shape_cast %squeeze3A_336 : vector<256xf32> to vector<256x1xf32>
    %sub3A_338 = vector.broadcast %broadcast_in_dim3A_334 : vector<1x1024xf32> to vector<256x1024xf32>
    %sub3A_339 = vector.broadcast %broadcast_in_dim3A_337 : vector<256x1xf32> to vector<256x1024xf32>
    %sub3A_340 = arith.subf %sub3A_338, %sub3A_339 : vector<256x1024xf32>
    %mul3A_341 = arith.mulf %sub3A_340, %sub3A_340 : vector<256x1024xf32>
    %add3A_342 = arith.addf %mul3A_271, %mul3A_311 : vector<256x1024xf32>
    %add3A_343 = arith.addf %mul3A_281, %mul3A_321 : vector<256x1024xf32>
    %add3A_344 = arith.addf %mul3A_291, %mul3A_331 : vector<256x1024xf32>
    %add3A_345 = arith.addf %mul3A_301, %mul3A_341 : vector<256x1024xf32>
    %add3A_346 = arith.addf %add3A_342, %add3A_344 : vector<256x1024xf32>
    %add3A_347 = arith.addf %add3A_343, %add3A_345 : vector<256x1024xf32>
    %add3A_348 = arith.addf %add3A_346, %add3A_347 : vector<256x1024xf32>
    %add3A_349 = arith.addf %add3A_261, %add3A_348 : vector<256x1024xf32>
    %reduce_min3A = arith.constant dense<0x7F800000> : vector<256xf32>
    %reduce_min3A_350 = vector.multi_reduction <minimumf>, %add3A_349, %reduce_min3A [1] : vector<256x1024xf32> to vector<256xf32>
    %broadcast_in_dim3A_351 = vector.shape_cast %reduce_min3A_350 : vector<256xf32> to vector<256x1xf32>
    %iota3A = tpu.iota {dimensions = array<i32: 1>} : vector<256x1024xi32>
    %eq3A = vector.broadcast %broadcast_in_dim3A_351 : vector<256x1xf32> to vector<256x1024xf32>
    %eq3A_352 = arith.cmpf oeq, %add3A_349, %eq3A : vector<256x1024xf32>
    %jit3A = arith.constant 1024 : i32
    %broadcast_in_dim3A_353 = vector.broadcast %jit3A : i32 to vector<256x1024xi32>
    %select_n3A = arith.select %eq3A_352, %iota3A, %broadcast_in_dim3A_353 : vector<256x1024xi1>, vector<256x1024xi32>
    %reduce_min3A_354 = arith.constant dense<2147483647> : vector<256xi32>
    %reduce_min3A_355 = vector.multi_reduction <minsi>, %select_n3A, %reduce_min3A_354 [1] : vector<256x1024xi32> to vector<256xi32>
    %broadcast_in_dim3A_356 = vector.shape_cast %reduce_min3A_355 : vector<256xi32> to vector<256x1xi32>
    %swap3A = arith.constant 0 : index
    %swap3A_357 = arith.constant 0 : index
    %swap3A_358 = vector.load %arg3[%swap3A, %swap3A_357] : memref<256x1xi32, #tpu.memory_space<vmem>>, vector<256x1xi32>
    tpu.vector_store %arg3[%swap3A, %swap3A_357], %broadcast_in_dim3A_356 {strides = array<i32>} : memref<256x1xi32, #tpu.memory_space<vmem>>, vector<256x1xi32>,
    return
  }
  func.func @transform_0(%arg0: i32) -> (i32, i32) {
    %c0_i32 = arith.constant 0 : i32
    %c0_i32_0 = arith.constant 0 : i32
    return %arg0, %c0_i32 : i32, i32
  }
  func.func @transform_1(%arg0: i32) -> (i32, i32) {
    %c0_i32 = arith.constant 0 : i32
    %c0_i32_0 = arith.constant 0 : i32
    %c0_i32_1 = arith.constant 0 : i32
    return %c0_i32, %c0_i32_0 : i32, i32
  }
  func.func @transform_2(%arg0: i32) -> (i32, i32) {
    %c0_i32 = arith.constant 0 : i32
    %c0_i32_0 = arith.constant 0 : i32
    return %arg0, %c0_i32 : i32, i32
  }
}

</mosaic_0001>

<sc_bundles>
// kernel: kernel.4.cloned.1.call-start
scs
__scs_entry_jumppad:
0x0: {  	(pc) =	sbr.rel $0x88, $3  }
0x1: {  	(tag) =	ssettag $0x0;
	lr =	simm.s32 $0x1  }
0x2: {  	[smem:$0x3F9F] =	sst lr;
	_ =	strace $0xD0000000  }
0x3: {  	_ = 	snop  }
0x4: {  	_ = 	snop  }
0x5: {  	_ = 	snop  }
0x6: {  	_ = 	snop  }
0x7: {  	_ = 	snop  }
__scs_overlays_trampoline_lowered:
0x8: {  	[smem:$0x3FAE] =	sst s0  }
0x9: {  	[smem:$0x3FAF] =	sst s1  }
0xa: {  	[smem:$0x3FB0] =	sst s2  }
0xb: {  	[smem:$0x3FB1] =	sst s3  }
0xc: {  	[smem:$0x3FB2] =	sst s4  }
0xd: {  	[smem:$0x3FB3] =	sst s5  }
0xe: {  	[smem:$0x3FB4] =	sst s6  }
0xf: {  	[smem:$0x3FB5] =	sst s7  }
0x10: {  	[smem:$0x3FB6] =	sst s8  }
0x11: {  	[smem:$0x3FB7] =	sst s9;
	s0 =	simm.s32 @!p0 $0x0  }
0x12: {  	s1 =	sld [smem:$0x3F9D];
	s0 =	simm.s32 @p0 $0x1  }
0x13: {  	[smem:$0x3FB8] =	sst s0;
	s0 =	simm.s32 @!p1 $0x0  }
0x14: {  	s2 =	sld [smem:$0x3F9C];
	s0 =	simm.s32 @p1 $0x1  }
0x15: {  	[smem:$0x3FB9] =	sst s0;
	s0 =	simm.s32 @!p2 $0x0  }
0x16: {  	s3 =	sld [smem:$0x3FDB];
	s0 =	simm.s32 @p2 $0x1  }
0x17: {  	s4 =	simm.s32 $0x1BF5;
	[smem:$0x3FBB] =	sst s0  }
0x18: {  	s0 =	sld [smem:$0x3F9E];
	_ =	swait.ge [sflag:s4], $0x0  }
0x19: {  	s7 =	sld [smem:$0x3F9F]  }
0x1a: {  	s8 =	sadd.s32 $0xFFFFE003, lr  }
0x1b: {  	s9 =	sadd.s32 $0xFFFFFEF7, lr;
	s5 =	simm.s32 $0xFFFFFFFF;
	p2 =	slt.u32 s8, $0xFFFFF086  }
0x1c: {  	p1 =	slt.u32 s9, $0xF7A;
	s5 =	simm.s32 @!p2 $0x0  }
0x1d: {  	s5 =	simm.s32 @p1 $0x1;
	p0 =	seq.s32 s7, s2  }
0x1e: {  	s7 =	smul.u32 @!p0 $0xF7A, s2;
	p2 =	seq.s32 @!p0 s5, $0x0  }
0x1f: {  	s9 =	smul.u32 $0xF7A, s1;
	s8 =	simm.s32 @!p0 $0x1BF5;
	p2 =	por !p2, p0  }
0x20: {  	[sflag:s8] =	ssyncset.s32 @!p0 $0xFFFFF086;
	s6 =	sadd.s32 @!p0 s3, s7;
	s7 =	simm.s32 @!p0 $0x108  }
0x21: {  	s3 =	sadd.s32 s3, s9;
	s6 =	sadd.s32 @!p0 $0x88, s6;
	s7 =	simm.s32 @p2 $0x1082  }
0x22: {  	[simem:s7], [sflag:s8] =	dma.local @!p0 [hbm:s6], $0xF7A  }
0x23: {  	s9 =	sor.u32 $0xD0000000, s2;
	s6 =	simm.s32 $0x108;
	_ =	swait.ge @!p0 [sflag:s8], $0x0  }
0x24: {  	s3 =	sadd.s32 $0x88, s3;
	s6 =	simm.s32 @!p1 $0x1082;
	[sflag:s4] =	ssyncset.s32 $0xFFFFF086  }
0x25: {  	[simem:s6], [sflag:s4] =	dma.local [hbm:s3], $0xF7A  }
0x26: {  	[smem:$0x3F9F] =	sst s1;
	(tag) =	ssettag s2;
	_ =	strace s9  }
0x27: {  	s1 =	sld [smem:$0x3FAF]  }
0x28: {  	s2 =	sld [smem:$0x3FB0]  }
0x29: {  	s4 =	sld [smem:$0x3FB2]  }
0x2a: {  	p0 =	seq.s32 s5, $0x0;
	s5 =	sld [smem:$0x3FB3]  }
0x2b: {  	s6 =	sld [smem:$0x3FB4]  }
0x2c: {  	s7 =	sld [smem:$0x3FB5]  }
0x2d: {  	s3 =	simm.s32 $0x108;
	s8 =	sld [smem:$0x3FB6]  }
0x2e: {  	s3 =	simm.s32 @!p0 $0x1082;
	s9 =	sld [smem:$0x3FB7]  }
0x2f: {  	lr =	sadd.s32 s0, s3;
	s0 =	sld [smem:$0x3FAE]  }
0x30: {  	s3 =	sld [smem:$0x3FB1]  }
0x31: {  	[smem:$0x3FBA] =	sst s10  }
0x32: {  	s10 =	sld [smem:$0x3FB8];
	_ =	sdelay $0x3  }
0x33: {  	p0 =	seq.s32 s10, $0x1;
	s10 =	sld [smem:$0x3FBA];
	_ =	sdelay $0x3  }
0x34: {  	[smem:$0x3FBA] =	sst s10  }
0x35: {  	s10 =	sld [smem:$0x3FB9];
	_ =	sdelay $0x3  }
0x36: {  	p1 =	seq.s32 s10, $0x1;
	s10 =	sld [smem:$0x3FBA];
	_ =	sdelay $0x3  }
0x37: {  	[smem:$0x3FBA] =	sst s10  }
0x38: {  	s10 =	sld [smem:$0x3FBB]  }
0x39: {  	_ = 	snop;
	(pc) =	sbr.ind lr, $3  }
0x3a: {  	_ = 	snop  }
0x3b: {  	_ = 	snop  }
0x3c: {  	p2 =	seq.s32 s10, $0x1;
	s10 =	sld [smem:$0x3FBA]  }
0x3d: {  	_ =	shalt  }
0x3e: {  	_ =	shalt  }
0x3f: {  	_ =	shalt  }
0x40: {  	_ =	shalt  }
0x41: {  	_ =	shalt  }
0x42: {  	_ =	shalt  }
0x43: {  	_ =	shalt  }
0x44: {  	_ =	shalt  }
0x45: {  	_ =	shalt  }
0x46: {  	_ =	shalt  }
0x47: {  	_ =	shalt  }
0x48: {  	_ =	shalt  }
0x49: {  	_ =	shalt  }
0x4a: {  	_ =	shalt  }
0x4b: {  	_ =	shalt  }
0x4c: {  	_ =	shalt  }
0x4d: {  	_ =	shalt  }
0x4e: {  	_ =	shalt  }
0x4f: {  	_ =	shalt  }
0x50: {  	_ =	shalt  }
0x51: {  	_ =	shalt  }
0x52: {  	_ =	shalt  }
0x53: {  	_ =	shalt  }
0x54: {  	_ =	shalt  }
0x55: {  	_ =	shalt  }
0x56: {  	_ =	shalt  }
0x57: {  	_ =	shalt  }
0x58: {  	_ =	shalt  }
0x59: {  	_ =	shalt  }
0x5a: {  	_ =	shalt  }
0x5b: {  	_ =	shalt  }
0x5c: {  	_ =	shalt  }
0x5d: {  	_ =	shalt  }
0x5e: {  	_ =	shalt  }
0x5f: {  	_ =	shalt  }
0x60: {  	_ =	shalt  }
0x61: {  	_ =	shalt  }
0x62: {  	_ =	shalt  }
0x63: {  	_ =	shalt  }
0x64: {  	_ =	shalt  }
0x65: {  	_ =	shalt  }
0x66: {  	_ =	shalt  }
0x67: {  	_ =	shalt  }
0x68: {  	_ =	shalt  }
0x69: {  	_ =	shalt  }
0x6a: {  	_ =	shalt  }
0x6b: {  	_ =	shalt  }
0x6c: {  	_ =	shalt  }
0x6d: {  	_ =	shalt  }
0x6e: {  	_ =	shalt  }
0x6f: {  	_ =	shalt  }
0x70: {  	_ =	shalt  }
0x71: {  	_ =	shalt  }
0x72: {  	_ =	shalt  }
0x73: {  	_ =	shalt  }
0x74: {  	_ =	shalt  }
0x75: {  	_ =	shalt  }
0x76: {  	_ =	shalt  }
0x77: {  	_ =	shalt  }
0x78: {  	_ =	shalt  }
0x79: {  	_ =	shalt  }
0x7a: {  	_ =	shalt  }
0x7b: {  	_ =	shalt  }
0x7c: {  	_ =	shalt  }
0x7d: {  	_ =	shalt  }
0x7e: {  	_ =	shalt  }
0x7f: {  	_ =	shalt  }
0x80: {  	_ =	shalt  }
0x81: {  	_ =	shalt  }
0x82: {  	_ =	shalt  }
0x83: {  	_ =	shalt  }
0x84: {  	_ =	shalt  }
0x85: {  	_ =	shalt  }
0x86: {  	_ =	shalt  }
0x87: {  	_ =	shalt  }
.Lfunc_end0:
.L_simem_size_0:
called_computation_lowered:
.L_overlay_start_0:
0x88: {  	s2 =	sld [smem:$0x3FD9]  }
0x89: {  	s3 =	sld [smem:$0x3FFE];
	_ =	sdelay $0x1  }
0x8a: {  	s1 =	srdreg.scid  }
0x8b: {  	s0 =	sand.u32 $0x1, s1  }
0x8c: {  	s14 =	sshll.u32 s0, $0xA;
	s2 =	sadd.s32 s3, s2  }
0x8d: {  	s2 =	sadd.s32 s2, s14  }
0x8e: {  	[smem:$0x3FC6] =	sst s2  }
0x8f: {  	_ = 	snop  }
0x90: {  	s2 =	sld [smem:$0x3FD0];
	_ =	sdelay $0x2  }
0x91: {  	s15 =	simm.s32 $0xA;
	s4 =	simm.s32 $0x10  }
0x92: {  	[smem:s4], [sflag:s15] =	dma.local [hbm:s2], $0x1  }
0x93: {  	_ =	swait.eq [sflag:s15], $0x1  }
0x94: {  	[sflag:s15] =	ssyncset.done $0x0  }
0x95: {  	[sflag:s15] =	ssyncadd.s32 $0xFFFFFFFF  }
0x96: {  	s16 =	sld [smem:$0x10];
	(tm) =	ssettm $0x1  }
0x97: {  	s17 =	sld [smem:$0x3FFB];
	_ =	sdelay $0x3  }
0x98: {  	_ =	strace s17  }
0x99: {  	s3 =	sld [smem:$0x3FFC];
	_ =	sdelay $0x3  }
0x9a: {  	_ =	strace s3  }
0x9b: {  	s3 =	sld [smem:$0x3FFD];
	_ =	sdelay $0x3  }
0x9c: {  	_ =	strace s3  }
0x9d: {  	_ =	strace $0x8FFFFFFF  }
0x9e: {  	s18 =	sld [smem:$0x3FDB];
	_ =	sdelay $0x1  }
0x9f: {  	s19 =	simm.s32 $_scs_section_size  }
0xa0: {  	s5 =	simm.s32 $_size__tile_overlayer_lowered;
	s6 =	simm.s32 $_tile_overlayer_lowered  }
0xa1: {  	s22 =	simm.s32 $0x1BFF;
	s21 =	sshll.u32 s6, $0x1;
	s3 =	sadd.s32 s19, s18  }
0xa2: {  	s7 =	simm.s32 $0x0;
	s20 =	sshll.u32 s5, $0x1;
	s5 =	sadd.s32 s21, s3  }
0xa3: {  	[timem:s7], [sflag:s22] =	dma.local [hbm:s5], s20  }
0xa4: {  	_ =	swait.ge [sflag:s22], s20  }
0xa5: {  	s4 =	ssub.s32 $0x0, s20;
	[sflag:s22] =	ssyncset.done $0x0  }
0xa6: {  	[sflag:s22] =	ssyncadd.s32 s4;
	_ =	sdelay $0x1  }
0xa7: {  	s23 =	simm.s32 $0x1B8B  }
0xa8: {  	_ =	swait.ge [sflag:s23], $0x1  }
0xa9: {  	[sflag:s23] =	ssyncset.done $0x0  }
0xaa: {  	s25 =	simm.s32 $0x1B8E;
	s24 =	sld [smem:$0x3FFE];
	[sflag:s23] =	ssyncadd.s32 $0xFFFFFFFF  }
0xab: {  	s26 =	simm.s32 $execute0_lowered;
	[smem:$0x3FD2] =	sst s25  }
0xac: {  	s5 =	sshll.u32 s26, $0x1;
	_ =	strace $0x80000046;
	[dreg:$0x1] =	wrdreg $0xFFFFFFFF  }
0xad: {  	s28 =	simm.s32 $_size_execute0_lowered;
	s3 =	sadd.s32 s3, s5;
	[dreg:$0x0] =	wrdreg $0x0  }
0xae: {  	s5 =	sshll.u32 s28, $0x1;
	[dreg:$0x2] =	wrdreg s3  }
0xaf: {  	[dreg:$0x3] =	wrdreg s5  }
0xb0: {  	[dreg:$0x4] =	wrdreg $0xC0  }
0xb1: {  	_ =	task [dreg:s7], $0x5FFFF  }
0xb2: {  	[dreg:$0x1] =	wrdreg $0xFFFFFFFF  }
0xb3: {  	[dreg:$0x0] =	wrdreg $0x60  }
0xb4: {  	[dreg:$0x2] =	wrdreg s24  }
0xb5: {  	[dreg:$0x3] =	wrdreg s16  }
0xb6: {  	[dreg:$0x4] =	wrdreg $0x9  }
0xb7: {  	_ =	task.clear_ibuf [dreg:s7], $0x5FFFF;
	_ =	strace $0x90000046  }
0xb8: {  	s29 =	simm.s32 $0x9;
	_ =	strace $0x80000048  }
0xb9: {  	_ =	swait.ge [sflag:s29], $0x1  }
0xba: {  	[sflag:s29] =	ssyncadd.s32 $0xFFFFFFFF  }
0xbb: {  	_ =	strace $0x90000048  }
0xbc: {  	_ =	sfence  }
0xbd: {  	s30 =	sld [smem:$0x0];
	_ =	sdelay $0x2  }
0xbe: {  	s31 =	sshll.u32 s1, $0xD;
	s1 =	sshrl.u32 s1, $0x2  }
0xbf: {  	s3 =	sand.u32 $0x4000, s31;
	s1 =	sadd.s32 s1, s30  }
0xc0: {  	s0 =	sor.u32 s3, s0;
	s1 =	sshll.u32 s1, $0x11  }
0xc1: {  	s0 =	sor.u32 s1, s0  }
0xc2: {  	s0 =	sadd.s32 $0x8F2B, s0  }
0xc3: {  	[sflag:s0] =	ssyncadd.remote.s32 $0x1  }
0xc4: {  	_ =	sfence.sel $0xFFFF  }
0xc5: {  	[dreg:$0x0] =	wrdreg $0xFFFFFFFF;
	(pc) =	sbr.abs _section_cstart, $3  }
0xc6: {  	[dreg:$0x1] =	wrdreg $0xFFFFFFFF  }
0xc7: {  	_ =	task.clear_ibuf [dreg:s7], $0x2FFFF;
	_ =	strace $0x9FFFFFFF  }
0xc8: {  	(tm) =	ssettm $0x7FFFFFFF  }
0xc9: {  	_ =	shalt  }
tec
execute0_lowered:
.L_overlay_start_1:
0x0: {  	(tag) =	ssettag $0x1  }
0x1: {  	s1 =	srdreg.scid  }
0x2: {  	s0 =	stileid.u32;
	s6 =	sand.u32 $0x1, s1  }
0x3: {  	s5 =	rddreg [dreg:$0x0];
	s30 =	sshll.u32 s0, $0x8;
	s2 =	sshll.u32 s6, $0x7  }
0x4: {  	s8 =	rddreg [dreg:$0x1];
	s9 =	sor.u32 s2, s30  }
0x5: {  	s1 =	rddreg [dreg:$0x2];
	s2 =	simm.s32 $0x0;
	s3 =	sshrl.u32 s9, $0x3  }
0x6: {  	s10 =	ssub.s32 $0x2, s6;
	[smem:$0x7FF] =	sst s2;
	s3 =	sadd.s32 s3, s5  }
0x7: {  	_ =	strace $0x80000047;
	s4 =	sadd.s32 $0x1400, s3;
	s3 =	simm.s32 $0x2  }
0x8: {  	[tilespmem:s2], [sflag:$0x2] =	stream.linear.gather [hbm4b:s4+s2], $0x80, $0x38;
	[tilespmem:$0x1080] =	vst v63  }
0x9: {  	s7 =	simm.s32 $0x1;
	s11 =	sshrl.u32 s10, $0x1;
	_ =	swait.ge [sflag:s3], $0x80  }
0xa: {  	s6 =	simm.s32 $0x80;
	s10 =	ssub.s32 s10, s11;
	[sflag:s3] =	ssyncset.done $0x0  }
0xb: {  	s5 =	sadd.s32 $0x400, s5;
	s31 =	smax.u32 s10, $0x1;
	[sflag:s3] =	ssyncadd.s32 $0xFFFFFF80  }
0xc: {  	[tilespmem:s6], [sflag:$0x1] =	stream.indirect.gather [hbm4b:s5+s6], $0x20, s2, s6, $0xb8;
	[tilespmem:$0x1080] =	vst v63  }
0xd: {  	p0 =	sne.s32 s31, $0x1;
	_ =	swait.ge [sflag:s7], $0x1000  }
.Ltmp0:
0xe: {  	s9 =	sshll.u32 s9, $0x2;
	[sflag:s7] =	ssyncset.done $0x0;
	(pc) =	sbr.rel @!p0 .LBB2_2-.Ltmp0, $4  }
0xf: {  	s8 =	sadd.s32 s8, s9;
	[sflag:s7] =	ssyncadd.s32 $0xFFFFF000  }
0x10: {  	[hbm4b:s8+s2] =	stream.linear.scatter [tilespmem:s6], [sflag:$0x2], $0x1000, $0x38;
	[tilespmem:$0x1080] =	vst v63  }
0x11: {  	_ =	swait.ge [sflag:s3], $0x1000  }
0x12: {  	s9 =	sadd.s32 $0xFFFFFFFF, s31;
	[sflag:s3] =	ssyncset.done $0x0  }
.LBB2_1:
0x13: {  	p0 =	sne.s32 s9, $0x1;
	s9 =	sadd.s32 $0xFFFFFFFF, s9;
	[sflag:s3] =	ssyncadd.s32 $0xFFFFF000  }
0x14: {  	[tilespmem:s2], [sflag:$0x2] =	stream.linear.gather [hbm4b:s4+s2], $0x80, $0x38;
	[tilespmem:$0x1080] =	vst v63  }
0x15: {  	_ =	swait.ge [sflag:s3], $0x80  }
0x16: {  	[sflag:s3] =	ssyncset.done $0x0  }
0x17: {  	[sflag:s3] =	ssyncadd.s32 $0xFFFFFF80  }
0x18: {  	[tilespmem:s6], [sflag:$0x1] =	stream.indirect.gather [hbm4b:s5+s6], $0x20, s2, s6, $0xb8;
	[tilespmem:$0x1080] =	vst v63  }
0x19: {  	_ =	swait.ge [sflag:s7], $0x1000  }
.Ltmp1:
0x1a: {  	[sflag:s7] =	ssyncset.done $0x0;
	(pc) =	sbr.rel @p0 .LBB2_1-.Ltmp1, $4  }
0x1b: {  	[sflag:s7] =	ssyncadd.s32 $0xFFFFF000  }
0x1c: {  	[hbm4b:s8+s2] =	stream.linear.scatter [tilespmem:s6], [sflag:$0x2], $0x1000, $0x38;
	[tilespmem:$0x1080] =	vst v63  }
0x1d: {  	_ =	swait.ge [sflag:s3], $0x1000  }
0x1e: {  	[sflag:s3] =	ssyncset.done $0x0  }
.LBB2_2:
0x1f: {  	[sflag:s3] =	ssyncadd.s32 $0xFFFFF000  }
0x20: {  	_ =	sfence.sel $0x180000  }
0x21: {  	[bflag:$0x0] =	sbarrier.arrive $0xFFFF  }
0x22: {  	p0 =	sne.s32 s0, $0x0;
	_ =	strace $0x90000047  }
0x23: {  	s0 =	sadd.s32 @!p0 $0x100000, s1;
	[bflag:$0x2] =	sbarrier.arrive $0xFFFF  }
0x24: {  	[sflag:s0] =	ssyncadd.tile.s32 @!p0 $0x1;
	_ =	shalt  }
.Lfunc_end2:
_tile_overlayer_lowered:
.L_overlay_start_2:
0x25: {  	(tag) =	ssettag $0x2  }
0x26: {  	s0 =	rddreg [dreg:$0x0];
	s2 =	stileid.u32  }
0x27: {  	s1 =	rddreg [dreg:$0x1];
	p0 =	sne.s32 s2, $0x0  }
0x28: {  	s3 =	rddreg [dreg:$0x2];
	[bflag:$0x3] =	sbarrier.arrive $0xFFFF;
	s2 =	simm.s32 @!p0 $0x1C02  }
0x29: {  	[timem:s3], [sflag:s2] =	dma.local @!p0 [hbm:s0], s1  }
0x2a: {  	s0 =	simm.s32 @!p0 $0x2  }
0x2b: {  	_ =	swait.ge @!p0 [sflag:s0], s1  }
0x2c: {  	s1 =	ssub.s32 @!p0 $0x0, s1;
	[sflag:s0] =	ssyncset.done @!p0 $0x0  }
0x2d: {  	[sflag:s0] =	ssyncadd.s32 @!p0 s1  }
0x2e: {  	[bflag:$0x3] =	sbarrier.arrive $0xFFFF  }
0x2f: {  	_ =	shalt  }

</sc_bundles>
